<compile_context>
chip_gen: v7x
topology: tpu7x:2x2x1
jax: 0.10.2.dev20260603
libtpu: 0.0.44.dev20260713+nightly
codegen_flags: <defaults>
</compile_context>

<pallas_src>
import jax
import jax.numpy as jnp
from jax import lax
from jax.experimental import pallas as pl
from jax.experimental.pallas import tpu as pltpu
from jax.experimental.pallas import tpu_sc as plsc

N = 10000
NP = 10240
D = 128
E = 320000
NC, NS = 2, 16
NW = NC * NS
E_PER_T = 10240
CHUNK = 64
NCHUNK = E_PER_T // CHUNK
NCH = NCHUNK
SHIFT = 14
NBUF = 4
RPT = NP // NS
BLK = 2048
NBLK = NP // BLK

_mesh = plsc.VectorSubcoreMesh(core_axis_name="c", subcore_axis_name="s")



def _degree_body(pk_hbm, zrow_hbm, hist_hbm, maxp_hbm,
                 pk_v, hist_v, max_v):
    c = lax.axis_index("c")
    s = lax.axis_index("s")
    wid = s * NC + c
    pltpu.sync_copy(pk_hbm.at[pl.ds(wid * E_PER_T, E_PER_T)], pk_v)
    pltpu.sync_copy(zrow_hbm, hist_v)
    max_v[...] = jnp.zeros((16,), jnp.int32)
    ones = jnp.full((16,), 1.0, jnp.float32)
    zero16 = jnp.zeros((16,), jnp.int32)
    mask = jnp.full((16,), (1 << SHIFT) - 1, jnp.int32)

    def body(i, carry):
        pk = pk_v[pl.ds(i * 16, 16)]
        s16 = lax.shift_right_logical(pk, SHIFT)
        t16 = lax.bitwise_and(pk, mask)
        plsc.addupdate_scatter(hist_v, [s16], ones)
        m16 = jnp.maximum(jnp.where(s16 < N, s16, zero16),
                          jnp.where(t16 < N, t16, zero16))
        max_v[...] = jnp.maximum(max_v[...], m16)
        return carry

    lax.fori_loop(0, E_PER_T // 16, body, 0)
    pltpu.sync_copy(hist_v, hist_hbm.at[wid])
    pltpu.sync_copy(max_v, maxp_hbm.at[wid])


@jax.jit
def _degree_call(packed, zrow):
    return pl.kernel(
        _degree_body,
        out_type=(
            jax.ShapeDtypeStruct((NW, NP), jnp.float32),
            jax.ShapeDtypeStruct((NW, 16), jnp.int32),
        ),
        mesh=_mesh,
        scratch_types=[
            pltpu.VMEM((E_PER_T,), jnp.int32),
            pltpu.VMEM((NP,), jnp.float32),
            pltpu.VMEM((16,), jnp.int32),
        ],
        compiler_params=pltpu.CompilerParams(
            needs_layout_passes=False, use_tc_tiling_on_sc=False),
    )(packed, zrow)



def _dis_body(maxp_ref, hist_ref, dis_ref):
    nn = jnp.max(maxp_ref[...]) + 1
    cnt = jnp.sum(hist_ref[...], axis=0)
    r = lax.broadcasted_iota(jnp.int32, (NP // 128, 128), 0)
    l = lax.broadcasted_iota(jnp.int32, (NP // 128, 128), 1)
    node = r * 128 + l
    deg = cnt + (node < nn).astype(jnp.float32)
    dis_ref[...] = jnp.where(deg > 0.0, lax.rsqrt(deg), 0.0)


@jax.jit
def _dis_call(maxp, hists4):
    return pl.pallas_call(
        _dis_body,
        in_specs=[
            pl.BlockSpec((NW, 16), lambda: (0, 0)),
            pl.BlockSpec((NW, NP // 128, 128), lambda: (0, 0, 0)),
        ],
        out_specs=pl.BlockSpec((NP // 128, 128), lambda: (0, 0)),
        out_shape=jax.ShapeDtypeStruct((NP // 128, 128), jnp.float32),
    )(maxp, hists4)



def _matmul_body(x_ref, wt_ref, h_ref):
    h_ref[...] = jnp.dot(x_ref[...], wt_ref[...],
                         preferred_element_type=jnp.float32)


@jax.jit
def _matmul_call(x, wt):
    return pl.pallas_call(
        _matmul_body,
        grid=(NBLK,),
        in_specs=[
            pl.BlockSpec((BLK, D), lambda i: (i, 0)),
            pl.BlockSpec((D, D), lambda i: (0, 0)),
        ],
        out_specs=pl.BlockSpec((BLK, D), lambda i: (i, 0)),
        out_shape=jax.ShapeDtypeStruct((NP, D), jnp.float32),
    )(x, wt)



def _scale_body(h_ref, dis_ref, g_ref):
    g_ref[...] = dis_ref[...] * h_ref[...]


@jax.jit
def _scale_call(h, dis_col):
    return pl.pallas_call(
        _scale_body,
        grid=(NBLK,),
        in_specs=[
            pl.BlockSpec((BLK, D), lambda i: (i, 0)),
            pl.BlockSpec((BLK, 1), lambda i: (i, 0)),
        ],
        out_specs=pl.BlockSpec((BLK, D), lambda i: (i, 0)),
        out_shape=jax.ShapeDtypeStruct((NP, D), jnp.float32),
    )(h, dis_col)



def _scatter_body(g_hbm, pk_hbm, zblk_hbm, part_hbm,
                  pk_v, srcb, tgtb, rows, gsems, ssems, acc):
    c = lax.axis_index("c")
    s = lax.axis_index("s")
    wid = c * NS + s
    pltpu.sync_copy(pk_hbm.at[pl.ds(wid * E_PER_T, NCH * CHUNK)], pk_v)
    pltpu.sync_copy(zblk_hbm, acc.at[pl.ds(s * RPT, RPT)])
    mask = jnp.full((16,), (1 << SHIFT) - 1, jnp.int32)

    def unpack(j, k):
        for i in range(CHUNK // 16):
            pk = pk_v[pl.ds(j * CHUNK + i * 16, 16)]
            srcb[k][pl.ds(i * 16, 16)] = lax.shift_right_logical(pk, SHIFT)
            tgtb[k][pl.ds(i * 16, 16)] = lax.bitwise_and(pk, mask)

    plsc.subcore_barrier()

    def run_chunks():
        for k in range(NBUF):
            unpack(k, k)
            pltpu.async_copy(g_hbm.at[srcb[k]], rows[k], gsems[k])

        def body(jj, carry):
            j = jj * NBUF
            for k in range(NBUF):
                pltpu.make_async_copy(
                    g_hbm.at[srcb[k]], rows[k], gsems[k]).wait()
                pltpu.async_copy(
                    rows[k], acc.at[tgtb[k]], ssems[k], add=True)
            for k in range(NBUF):
                pltpu.make_async_copy(
                    rows[k], acc.at[tgtb[k]], ssems[k]).wait()

                @pl.when(j + NBUF + k < NCH)
                def _():
                    unpack(j + NBUF + k, k)
                    pltpu.async_copy(g_hbm.at[srcb[k]], rows[k], gsems[k])
            return carry

        lax.fori_loop(0, NCH // NBUF, body, 0)

    run_chunks()
    plsc.subcore_barrier()
    pltpu.sync_copy(acc.at[pl.ds(s * RPT, RPT)],
                    part_hbm.at[pl.ds(c * NP + s * RPT, RPT)])


@jax.jit
def _scatter_call(g, packed, zblk):
    return pl.kernel(
        _scatter_body,
        out_type=jax.ShapeDtypeStruct((NC * NP, D), jnp.float32),
        mesh=_mesh,
        scratch_types=[
            pltpu.VMEM((NCH * CHUNK,), jnp.int32),
            [pltpu.VMEM((CHUNK,), jnp.int32) for _ in range(NBUF)],
            [pltpu.VMEM((CHUNK,), jnp.int32) for _ in range(NBUF)],
            [pltpu.VMEM((CHUNK, D), jnp.float32) for _ in range(NBUF)],
            [pltpu.SemaphoreType.DMA for _ in range(NBUF)],
            [pltpu.SemaphoreType.DMA for _ in range(NBUF)],
            pltpu.VMEM_SHARED((NP, D), jnp.float32),
        ],
        compiler_params=pltpu.CompilerParams(
            needs_layout_passes=False, use_tc_tiling_on_sc=False),
    )(g, packed, zblk)



def _out_body(p_ref, g_ref, dis_ref, o_ref):
    o_ref[...] = dis_ref[...] * (p_ref[0] + p_ref[1] + g_ref[...])


OBLK = 2000


@jax.jit
def _out_call(parts3, g, dis_col):
    return pl.pallas_call(
        _out_body,
        grid=(N // OBLK,),
        in_specs=[
            pl.BlockSpec((NC, OBLK, D), lambda i: (0, i, 0)),
            pl.BlockSpec((OBLK, D), lambda i: (i, 0)),
            pl.BlockSpec((OBLK, 1), lambda i: (i, 0)),
        ],
        out_specs=pl.BlockSpec((OBLK, D), lambda i: (i, 0)),
        out_shape=jax.ShapeDtypeStruct((N, D), jnp.float32),
    )(parts3, g, dis_col)



def kernel(x, edge_index, W):
    edges = edge_index.astype(jnp.int32)
    dummy = N + (jnp.arange(NW * E_PER_T - E, dtype=jnp.int32) % (NP - N))
    packed = jnp.concatenate([(edges[0] << SHIFT) | edges[1],
                              (dummy << SHIFT) | dummy])
    x_pad = jnp.pad(x, ((0, NP - N), (0, 0)))
    wt = W.T

    zrow = jnp.zeros((NP,), jnp.float32)
    hists, maxp = _degree_call(packed, zrow)
    h = _matmul_call(x_pad, wt)

    dis_flat = _dis_call(maxp, hists.reshape(NW, NP // 128, 128))
    dis_col = dis_flat.reshape(NP, 1)

    g = _scale_call(h, dis_col)

    zblk = jnp.zeros((RPT, D), jnp.float32)
    parts = _scatter_call(g, packed, zblk)

    return _out_call(parts.reshape(NC, NP, D), g, dis_col)

# --- scband reference (transcript-rebuilt; emitter-appended) ---
"""Pipeline reference for scband-my-gcnconv-50912542327337 (READ-ONLY COPY).

The authoritative reference and input builder live on the scoring server;
editing this copy changes nothing except your own understanding.
"""

import jax, jax.numpy as jnp
import numpy as np

N_NODES = 10000
N_EDGES = 320000
D_IN = 128
D_OUT = 128


def setup_inputs(seed: int = 0) -> dict:
    key = jax.random.key(seed)
    k1, k2, k3 = jax.random.split(key, 3)
    x = jax.random.normal(k1, (N_NODES, D_IN), dtype=jnp.float32)
    edge_index = jax.random.randint(k2, (2, N_EDGES), 0, N_NODES)
    # Linear(in_channels, out_channels, bias=False): weight shape [out, in]
    W = jax.random.normal(k3, (D_OUT, D_IN), dtype=jnp.float32) * (1.0 / np.sqrt(D_IN))
    return {"x": x, "edge_index": edge_index, "W": W}


def reference(x, edge_index, W):
    # add_self_loops: num_nodes inferred from max index (traced); indices are
    # always < x.shape[0], so use that static bound for fixed shapes
    max_nodes = x.shape[0]
    num_nodes = edge_index.max() + 1
    loop = jnp.arange(max_nodes, dtype=edge_index.dtype)
    loop_mask = loop < num_nodes

    # x = self.lin(x)
    h = x @ W.T

    # pairnorm: symmetric-ish normalization based on source-degree
    source = edge_index[0]
    target = edge_index[1]
    deg = jnp.bincount(source, length=max_nodes).astype(h.dtype) + loop_mask.astype(h.dtype)
    deg_inv_sqrt = deg ** -0.5
    deg_inv_sqrt = jnp.where(jnp.isinf(deg_inv_sqrt), 0.0, deg_inv_sqrt)
    norm_e = deg_inv_sqrt[source] * deg_inv_sqrt[target]
    norm_loop = jnp.where(loop_mask, deg_inv_sqrt * deg_inv_sqrt, 0.0)

    # propagate: gather from source, scale, scatter-add into target
    src_all = jnp.concatenate([source, loop])
    tgt_all = jnp.concatenate([target, loop])
    norm_all = jnp.concatenate([norm_e, norm_loop])
    norm_x = h[src_all] * norm_all[:, None]
    out = jnp.zeros_like(h).at[tgt_all].add(norm_x)
    return out

if __name__ == "__main__":
    import jax
    _d = setup_inputs()
    print(jax.jit(kernel)(*tuple(_d.values())))

</pallas_src>

<mosaic_0001>
#map = affine_map<(d0, d1) -> (0)>
#map1 = affine_map<(d0, d1) -> (0, 0)>
module attributes {stable_mosaic.version = 14 : i64} {
  func.func @_degree_body(%arg0: i32, %arg1: i32, %arg2: memref<327680xi32, #tpu.memory_space<hbm>>, %arg3: memref<10240xf32, #tpu.memory_space<hbm>>, %arg4: memref<32x10240xf32, #tpu.memory_space<hbm>>, %arg5: memref<32x16xi32, #tpu.memory_space<hbm>>, %arg6: memref<10240xi32, #tpu.memory_space<vmem>>, %arg7: memref<10240xf32, #tpu.memory_space<vmem>>, %arg8: memref<16xi32, #tpu.memory_space<vmem>>) attributes {dimension_semantics = [#tpu.dimension_semantics<core_parallel>, #tpu.dimension_semantics<subcore_parallel>], iteration_bounds = array<i64: 2, 16>, scalar_prefetch = 0 : i64, scratch_operands = 3 : i64, tpu.core_type = #tpu.core_type<sc_vector_subcore>, window_params = [{transform_indices = #map}, {transform_indices = #map}, {transform_indices = #map1}, {transform_indices = #map1}]} {
    %mul3A = arith.constant 2 : i32
    %mul3A_0 = arith.muli %arg1, %mul3A : i32
    %add3A = arith.addi %mul3A_0, %arg0 : i32
    %mul3A_1 = arith.constant 10240 : i32
    %mul3A_2 = arith.muli %add3A, %mul3A_1 : i32
    "tpu.region"() ({
      %run_scoped3A = tpu.sem_alloc : memref<!tpu.dma_semaphore, #tpu.memory_space<semaphore_mem>>
      %dma_start3A = tpu.memref_slice %arg2[%mul3A_2] : memref<327680xi32, #tpu.memory_space<hbm>> -> memref<10240xi32, #tpu.memory_space<hbm>>
      %dma_start3A_16 = tpu.memref_slice %arg2[%mul3A_2] : memref<327680xi32, #tpu.memory_space<hbm>> -> memref<10240xi32, #tpu.memory_space<hbm>>
      tpu.enqueue_dma source(%dma_start3A_16 : memref<10240xi32, #tpu.memory_space<hbm>>) target(%arg6 : memref<10240xi32, #tpu.memory_space<vmem>>) target_semaphore(%run_scoped3A : memref<!tpu.dma_semaphore, #tpu.memory_space<semaphore_mem>>)
      %dma_wait3A = tpu.memref_slice %arg2[%mul3A_2] : memref<327680xi32, #tpu.memory_space<hbm>> -> memref<10240xi32, #tpu.memory_space<hbm>>
      %dma_wait3A_17 = tpu.memref_slice %arg2[%mul3A_2] : memref<327680xi32, #tpu.memory_space<hbm>> -> memref<10240xi32, #tpu.memory_space<hbm>>
      tpu.wait_dma2 semaphore(%run_scoped3A : memref<!tpu.dma_semaphore, #tpu.memory_space<semaphore_mem>>) src(%dma_wait3A_17 : memref<10240xi32, #tpu.memory_space<hbm>>) dst(%arg6 : memref<10240xi32, #tpu.memory_space<vmem>>)
      tpu.yield
    }) : () -> ()
    "tpu.region"() ({
      %run_scoped3A = tpu.sem_alloc : memref<!tpu.dma_semaphore, #tpu.memory_space<semaphore_mem>>
      tpu.enqueue_dma source(%arg3 : memref<10240xf32, #tpu.memory_space<hbm>>) target(%arg7 : memref<10240xf32, #tpu.memory_space<vmem>>) target_semaphore(%run_scoped3A : memref<!tpu.dma_semaphore, #tpu.memory_space<semaphore_mem>>)
      tpu.wait_dma2 semaphore(%run_scoped3A : memref<!tpu.dma_semaphore, #tpu.memory_space<semaphore_mem>>) src(%arg3 : memref<10240xf32, #tpu.memory_space<hbm>>) dst(%arg7 : memref<10240xf32, #tpu.memory_space<vmem>>)
      tpu.yield
    }) : () -> ()
    %broadcast_in_dim3A = arith.constant 0 : i32
    %broadcast_in_dim3A_3 = vector.broadcast %broadcast_in_dim3A : i32 to vector<16xi32>
    %swap3A = arith.constant 0 : index
    %swap3A_4 = tpu.vector_load %arg8[%swap3A] {strides = array<i32>} : memref<16xi32, #tpu.memory_space<vmem>>, vector<16xi32>,
    tpu.vector_store %arg8[%swap3A], %broadcast_in_dim3A_3 {strides = array<i32>} : memref<16xi32, #tpu.memory_space<vmem>>, vector<16xi32>,
    %broadcast_in_dim3A_5 = arith.constant 1.000000e+00 : f32
    %broadcast_in_dim3A_6 = vector.broadcast %broadcast_in_dim3A_5 : f32 to vector<16xf32>
    %broadcast_in_dim3A_7 = arith.constant 0 : i32
    %broadcast_in_dim3A_8 = vector.broadcast %broadcast_in_dim3A_7 : i32 to vector<16xi32>
    %broadcast_in_dim3A_9 = arith.constant 16383 : i32
    %broadcast_in_dim3A_10 = vector.broadcast %broadcast_in_dim3A_9 : i32 to vector<16xi32>
    %scan3A = arith.constant 0 : i32
    %scan3A_11 = arith.constant 0 : i32
    %scan3A_12 = arith.constant 640 : i32
    %scan3A_13 = arith.addi %scan3A_11, %scan3A_12 : i32
    %scan3A_14 = arith.constant 1 : i32
    scf.for %scan3A_16 = %scan3A_11 to %scan3A_13 step %scan3A_14  : i32 {
      %mul3A_17 = arith.constant 16 : i32
      %mul3A_18 = arith.muli %scan3A_16, %mul3A_17 : i32
      %get3A = arith.index_cast %mul3A_18 : i32 to index
      %get3A_19 = tpu.vector_load %arg6[%get3A] {strides = array<i32>} : memref<10240xi32, #tpu.memory_space<vmem>>, vector<16xi32>,
      %shift_right_logical3A = arith.constant 14 : i32
      %shift_right_logical3A_20 = vector.broadcast %shift_right_logical3A : i32 to vector<16xi32>
      %shift_right_logical3A_21 = arith.shrui %get3A_19, %shift_right_logical3A_20 : vector<16xi32>
      %and3A = arith.andi %get3A_19, %broadcast_in_dim3A_10 : vector<16xi32>
      tpu.vector_store_idx %arg7[%shift_right_logical3A_21], %broadcast_in_dim3A_6 {add = true} : memref<10240xf32, #tpu.memory_space<vmem>>[vector<16xi32>], vector<16xf32>,
      %lt3A = arith.constant 10000 : i32
      %lt3A_22 = vector.broadcast %lt3A : i32 to vector<16xi32>
      %lt3A_23 = arith.cmpi slt, %shift_right_logical3A_21, %lt3A_22 : vector<16xi32>
      %select_n3A = arith.select %lt3A_23, %shift_right_logical3A_21, %broadcast_in_dim3A_8 : vector<16xi1>, vector<16xi32>
      %lt3A_24 = arith.constant 10000 : i32
      %lt3A_25 = vector.broadcast %lt3A_24 : i32 to vector<16xi32>
      %lt3A_26 = arith.cmpi slt, %and3A, %lt3A_25 : vector<16xi32>
      %select_n3A_27 = arith.select %lt3A_26, %and3A, %broadcast_in_dim3A_8 : vector<16xi1>, vector<16xi32>
      %max3A = arith.maxsi %select_n3A, %select_n3A_27 : vector<16xi32>
      %get3A_28 = arith.constant 0 : index
      %get3A_29 = tpu.vector_load %arg8[%get3A_28] {strides = array<i32>} : memref<16xi32, #tpu.memory_space<vmem>>, vector<16xi32>,
      %max3A_30 = arith.maxsi %get3A_29, %max3A : vector<16xi32>
      %swap3A_31 = arith.constant 0 : index
      %swap3A_32 = tpu.vector_load %arg8[%swap3A_31] {strides = array<i32>} : memref<16xi32, #tpu.memory_space<vmem>>, vector<16xi32>,
      tpu.vector_store %arg8[%swap3A_31], %max3A_30 {strides = array<i32>} : memref<16xi32, #tpu.memory_space<vmem>>, vector<16xi32>,
    }
    %scan3A_15 = arith.constant 640 : i32
    "tpu.region"() ({
      %run_scoped3A = tpu.sem_alloc : memref<!tpu.dma_semaphore, #tpu.memory_space<semaphore_mem>>
      %dma_start3A = arith.constant 0 : i32
      %dma_start3A_16 = tpu.memref_slice %arg4[%add3A, %dma_start3A] : memref<32x10240xf32, #tpu.memory_space<hbm>> -> memref<1x10240xf32, #tpu.memory_space<hbm>>
      %dma_start3A_17 = tpu.memref_squeeze %dma_start3A_16 : memref<1x10240xf32, #tpu.memory_space<hbm>> -> memref<10240xf32, #tpu.memory_space<hbm>>
      %dma_start3A_18 = arith.constant 0 : i32
      %dma_start3A_19 = tpu.memref_slice %arg4[%add3A, %dma_start3A_18] : memref<32x10240xf32, #tpu.memory_space<hbm>> -> memref<1x10240xf32, #tpu.memory_space<hbm>>
      %dma_start3A_20 = tpu.memref_squeeze %dma_start3A_19 : memref<1x10240xf32, #tpu.memory_space<hbm>> -> memref<10240xf32, #tpu.memory_space<hbm>>
      tpu.enqueue_dma source(%arg7 : memref<10240xf32, #tpu.memory_space<vmem>>) target(%dma_start3A_20 : memref<10240xf32, #tpu.memory_space<hbm>>) target_semaphore(%run_scoped3A : memref<!tpu.dma_semaphore, #tpu.memory_space<semaphore_mem>>)
      %dma_wait3A = arith.constant 0 : i32
      %dma_wait3A_21 = tpu.memref_slice %arg4[%add3A, %dma_wait3A] : memref<32x10240xf32, #tpu.memory_space<hbm>> -> memref<1x10240xf32, #tpu.memory_space<hbm>>
      %dma_wait3A_22 = tpu.memref_squeeze %dma_wait3A_21 : memref<1x10240xf32, #tpu.memory_space<hbm>> -> memref<10240xf32, #tpu.memory_space<hbm>>
      %dma_wait3A_23 = arith.constant 0 : i32
      %dma_wait3A_24 = tpu.memref_slice %arg4[%add3A, %dma_wait3A_23] : memref<32x10240xf32, #tpu.memory_space<hbm>> -> memref<1x10240xf32, #tpu.memory_space<hbm>>
      %dma_wait3A_25 = tpu.memref_squeeze %dma_wait3A_24 : memref<1x10240xf32, #tpu.memory_space<hbm>> -> memref<10240xf32, #tpu.memory_space<hbm>>
      tpu.wait_dma2 semaphore(%run_scoped3A : memref<!tpu.dma_semaphore, #tpu.memory_space<semaphore_mem>>) src(%arg7 : memref<10240xf32, #tpu.memory_space<vmem>>) dst(%dma_wait3A_25 : memref<10240xf32, #tpu.memory_space<hbm>>)
      tpu.yield
    }) : () -> ()
    "tpu.region"() ({
      %run_scoped3A = tpu.sem_alloc : memref<!tpu.dma_semaphore, #tpu.memory_space<semaphore_mem>>
      %dma_start3A = arith.constant 0 : i32
      %dma_start3A_16 = tpu.memref_slice %arg5[%add3A, %dma_start3A] : memref<32x16xi32, #tpu.memory_space<hbm>> -> memref<1x16xi32, #tpu.memory_space<hbm>>
      %dma_start3A_17 = tpu.memref_squeeze %dma_start3A_16 : memref<1x16xi32, #tpu.memory_space<hbm>> -> memref<16xi32, #tpu.memory_space<hbm>>
      %dma_start3A_18 = arith.constant 0 : i32
      %dma_start3A_19 = tpu.memref_slice %arg5[%add3A, %dma_start3A_18] : memref<32x16xi32, #tpu.memory_space<hbm>> -> memref<1x16xi32, #tpu.memory_space<hbm>>
      %dma_start3A_20 = tpu.memref_squeeze %dma_start3A_19 : memref<1x16xi32, #tpu.memory_space<hbm>> -> memref<16xi32, #tpu.memory_space<hbm>>
      tpu.enqueue_dma source(%arg8 : memref<16xi32, #tpu.memory_space<vmem>>) target(%dma_start3A_20 : memref<16xi32, #tpu.memory_space<hbm>>) target_semaphore(%run_scoped3A : memref<!tpu.dma_semaphore, #tpu.memory_space<semaphore_mem>>)
      %dma_wait3A = arith.constant 0 : i32
      %dma_wait3A_21 = tpu.memref_slice %arg5[%add3A, %dma_wait3A] : memref<32x16xi32, #tpu.memory_space<hbm>> -> memref<1x16xi32, #tpu.memory_space<hbm>>
      %dma_wait3A_22 = tpu.memref_squeeze %dma_wait3A_21 : memref<1x16xi32, #tpu.memory_space<hbm>> -> memref<16xi32, #tpu.memory_space<hbm>>
      %dma_wait3A_23 = arith.constant 0 : i32
      %dma_wait3A_24 = tpu.memref_slice %arg5[%add3A, %dma_wait3A_23] : memref<32x16xi32, #tpu.memory_space<hbm>> -> memref<1x16xi32, #tpu.memory_space<hbm>>
      %dma_wait3A_25 = tpu.memref_squeeze %dma_wait3A_24 : memref<1x16xi32, #tpu.memory_space<hbm>> -> memref<16xi32, #tpu.memory_space<hbm>>
      tpu.wait_dma2 semaphore(%run_scoped3A : memref<!tpu.dma_semaphore, #tpu.memory_space<semaphore_mem>>) src(%arg8 : memref<16xi32, #tpu.memory_space<vmem>>) dst(%dma_wait3A_25 : memref<16xi32, #tpu.memory_space<hbm>>)
      tpu.yield
    }) : () -> ()
    return
  }
}

</mosaic_0001>

<sc_bundles>
// kernel: _degree_call.3.cloned.1.call-start
scs
__scs_entry_jumppad:
0x0: {  	(pc) =	sbr.rel $0x88, $3  }
0x1: {  	(tag) =	ssettag $0x0;
	lr =	simm.s32 $0x1  }
0x2: {  	[smem:$0x3F9F] =	sst lr;
	_ =	strace $0xD0000000  }
0x3: {  	_ = 	snop  }
0x4: {  	_ = 	snop  }
0x5: {  	_ = 	snop  }
0x6: {  	_ = 	snop  }
0x7: {  	_ = 	snop  }
__scs_overlays_trampoline_lowered:
0x8: {  	[smem:$0x3FAE] =	sst s0  }
0x9: {  	[smem:$0x3FAF] =	sst s1  }
0xa: {  	[smem:$0x3FB0] =	sst s2  }
0xb: {  	[smem:$0x3FB1] =	sst s3  }
0xc: {  	[smem:$0x3FB2] =	sst s4  }
0xd: {  	[smem:$0x3FB3] =	sst s5  }
0xe: {  	[smem:$0x3FB4] =	sst s6  }
0xf: {  	[smem:$0x3FB5] =	sst s7  }
0x10: {  	[smem:$0x3FB6] =	sst s8  }
0x11: {  	[smem:$0x3FB7] =	sst s9;
	s0 =	simm.s32 @!p0 $0x0  }
0x12: {  	s1 =	sld [smem:$0x3F9D];
	s0 =	simm.s32 @p0 $0x1  }
0x13: {  	[smem:$0x3FB8] =	sst s0;
	s0 =	simm.s32 @!p1 $0x0  }
0x14: {  	s2 =	sld [smem:$0x3F9C];
	s0 =	simm.s32 @p1 $0x1  }
0x15: {  	[smem:$0x3FB9] =	sst s0;
	s0 =	simm.s32 @!p2 $0x0  }
0x16: {  	s3 =	sld [smem:$0x3FDB];
	s0 =	simm.s32 @p2 $0x1  }
0x17: {  	s4 =	simm.s32 $0x1BF5;
	[smem:$0x3FBB] =	sst s0  }
0x18: {  	s0 =	sld [smem:$0x3F9E];
	_ =	swait.ge [sflag:s4], $0x0  }
0x19: {  	s7 =	sld [smem:$0x3F9F]  }
0x1a: {  	s8 =	sadd.s32 $0xFFFFE003, lr  }
0x1b: {  	s9 =	sadd.s32 $0xFFFFFEF7, lr;
	s5 =	simm.s32 $0xFFFFFFFF;
	p2 =	slt.u32 s8, $0xFFFFF086  }
0x1c: {  	p1 =	slt.u32 s9, $0xF7A;
	s5 =	simm.s32 @!p2 $0x0  }
0x1d: {  	s5 =	simm.s32 @p1 $0x1;
	p0 =	seq.s32 s7, s2  }
0x1e: {  	s7 =	smul.u32 @!p0 $0xF7A, s2;
	p2 =	seq.s32 @!p0 s5, $0x0  }
0x1f: {  	s9 =	smul.u32 $0xF7A, s1;
	s8 =	simm.s32 @!p0 $0x1BF5;
	p2 =	por !p2, p0  }
0x20: {  	[sflag:s8] =	ssyncset.s32 @!p0 $0xFFFFF086;
	s6 =	sadd.s32 @!p0 s3, s7;
	s7 =	simm.s32 @!p0 $0x108  }
0x21: {  	s3 =	sadd.s32 s3, s9;
	s6 =	sadd.s32 @!p0 $0x88, s6;
	s7 =	simm.s32 @p2 $0x1082  }
0x22: {  	[simem:s7], [sflag:s8] =	dma.local @!p0 [hbm:s6], $0xF7A  }
0x23: {  	s9 =	sor.u32 $0xD0000000, s2;
	s6 =	simm.s32 $0x108;
	_ =	swait.ge @!p0 [sflag:s8], $0x0  }
0x24: {  	s3 =	sadd.s32 $0x88, s3;
	s6 =	simm.s32 @!p1 $0x1082;
	[sflag:s4] =	ssyncset.s32 $0xFFFFF086  }
0x25: {  	[simem:s6], [sflag:s4] =	dma.local [hbm:s3], $0xF7A  }
0x26: {  	[smem:$0x3F9F] =	sst s1;
	(tag) =	ssettag s2;
	_ =	strace s9  }
0x27: {  	s1 =	sld [smem:$0x3FAF]  }
0x28: {  	s2 =	sld [smem:$0x3FB0]  }
0x29: {  	s4 =	sld [smem:$0x3FB2]  }
0x2a: {  	p0 =	seq.s32 s5, $0x0;
	s5 =	sld [smem:$0x3FB3]  }
0x2b: {  	s6 =	sld [smem:$0x3FB4]  }
0x2c: {  	s7 =	sld [smem:$0x3FB5]  }
0x2d: {  	s3 =	simm.s32 $0x108;
	s8 =	sld [smem:$0x3FB6]  }
0x2e: {  	s3 =	simm.s32 @!p0 $0x1082;
	s9 =	sld [smem:$0x3FB7]  }
0x2f: {  	lr =	sadd.s32 s0, s3;
	s0 =	sld [smem:$0x3FAE]  }
0x30: {  	s3 =	sld [smem:$0x3FB1]  }
0x31: {  	[smem:$0x3FBA] =	sst s10  }
0x32: {  	s10 =	sld [smem:$0x3FB8];
	_ =	sdelay $0x3  }
0x33: {  	p0 =	seq.s32 s10, $0x1;
	s10 =	sld [smem:$0x3FBA];
	_ =	sdelay $0x3  }
0x34: {  	[smem:$0x3FBA] =	sst s10  }
0x35: {  	s10 =	sld [smem:$0x3FB9];
	_ =	sdelay $0x3  }
0x36: {  	p1 =	seq.s32 s10, $0x1;
	s10 =	sld [smem:$0x3FBA];
	_ =	sdelay $0x3  }
0x37: {  	[smem:$0x3FBA] =	sst s10  }
0x38: {  	s10 =	sld [smem:$0x3FBB]  }
0x39: {  	_ = 	snop;
	(pc) =	sbr.ind lr, $3  }
0x3a: {  	_ = 	snop  }
0x3b: {  	_ = 	snop  }
0x3c: {  	p2 =	seq.s32 s10, $0x1;
	s10 =	sld [smem:$0x3FBA]  }
0x3d: {  	_ =	shalt  }
0x3e: {  	_ =	shalt  }
0x3f: {  	_ =	shalt  }
0x40: {  	_ =	shalt  }
0x41: {  	_ =	shalt  }
0x42: {  	_ =	shalt  }
0x43: {  	_ =	shalt  }
0x44: {  	_ =	shalt  }
0x45: {  	_ =	shalt  }
0x46: {  	_ =	shalt  }
0x47: {  	_ =	shalt  }
0x48: {  	_ =	shalt  }
0x49: {  	_ =	shalt  }
0x4a: {  	_ =	shalt  }
0x4b: {  	_ =	shalt  }
0x4c: {  	_ =	shalt  }
0x4d: {  	_ =	shalt  }
0x4e: {  	_ =	shalt  }
0x4f: {  	_ =	shalt  }
0x50: {  	_ =	shalt  }
0x51: {  	_ =	shalt  }
0x52: {  	_ =	shalt  }
0x53: {  	_ =	shalt  }
0x54: {  	_ =	shalt  }
0x55: {  	_ =	shalt  }
0x56: {  	_ =	shalt  }
0x57: {  	_ =	shalt  }
0x58: {  	_ =	shalt  }
0x59: {  	_ =	shalt  }
0x5a: {  	_ =	shalt  }
0x5b: {  	_ =	shalt  }
0x5c: {  	_ =	shalt  }
0x5d: {  	_ =	shalt  }
0x5e: {  	_ =	shalt  }
0x5f: {  	_ =	shalt  }
0x60: {  	_ =	shalt  }
0x61: {  	_ =	shalt  }
0x62: {  	_ =	shalt  }
0x63: {  	_ =	shalt  }
0x64: {  	_ =	shalt  }
0x65: {  	_ =	shalt  }
0x66: {  	_ =	shalt  }
0x67: {  	_ =	shalt  }
0x68: {  	_ =	shalt  }
0x69: {  	_ =	shalt  }
0x6a: {  	_ =	shalt  }
0x6b: {  	_ =	shalt  }
0x6c: {  	_ =	shalt  }
0x6d: {  	_ =	shalt  }
0x6e: {  	_ =	shalt  }
0x6f: {  	_ =	shalt  }
0x70: {  	_ =	shalt  }
0x71: {  	_ =	shalt  }
0x72: {  	_ =	shalt  }
0x73: {  	_ =	shalt  }
0x74: {  	_ =	shalt  }
0x75: {  	_ =	shalt  }
0x76: {  	_ =	shalt  }
0x77: {  	_ =	shalt  }
0x78: {  	_ =	shalt  }
0x79: {  	_ =	shalt  }
0x7a: {  	_ =	shalt  }
0x7b: {  	_ =	shalt  }
0x7c: {  	_ =	shalt  }
0x7d: {  	_ =	shalt  }
0x7e: {  	_ =	shalt  }
0x7f: {  	_ =	shalt  }
0x80: {  	_ =	shalt  }
0x81: {  	_ =	shalt  }
0x82: {  	_ =	shalt  }
0x83: {  	_ =	shalt  }
0x84: {  	_ =	shalt  }
0x85: {  	_ =	shalt  }
0x86: {  	_ =	shalt  }
0x87: {  	_ =	shalt  }
.Lfunc_end0:
.L_simem_size_0:
called_computation_lowered:
.L_overlay_start_0:
0x88: {  	s2 =	sld [smem:$0x3FD9]  }
0x89: {  	s3 =	sld [smem:$0x3FFE];
	_ =	sdelay $0x1  }
0x8a: {  	s1 =	srdreg.scid  }
0x8b: {  	s0 =	sand.u32 $0x1, s1  }
0x8c: {  	s14 =	sshll.u32 s0, $0xA;
	s2 =	sadd.s32 s3, s2  }
0x8d: {  	s2 =	sadd.s32 s2, s14  }
0x8e: {  	[smem:$0x3FC6] =	sst s2  }
0x8f: {  	_ = 	snop  }
0x90: {  	s2 =	sld [smem:$0x3FD0];
	_ =	sdelay $0x1  }
0x91: {  	s15 =	sld [smem:$0x3FC9]  }
0x92: {  	s5 =	simm.s32 $0xA;
	s6 =	simm.s32 $0x10;
	s4 =	sld [smem:$0x3FC8]  }
0x93: {  	[smem:s6], [sflag:s5] =	dma.local [hbm:s2], $0x1  }
0x94: {  	_ =	swait.eq [sflag:s5], $0x1  }
0x95: {  	[sflag:s5] =	ssyncset.done $0x0  }
0x96: {  	[sflag:s5] =	ssyncadd.s32 $0xFFFFFFFF  }
0x97: {  	s16 =	sld [smem:$0x11];
	(tm) =	ssettm $0x1  }
0x98: {  	s17 =	sld [smem:$0x3FFB];
	_ =	sdelay $0x3  }
0x99: {  	_ =	strace s17  }
0x9a: {  	s5 =	sld [smem:$0x3FFC];
	_ =	sdelay $0x3  }
0x9b: {  	_ =	strace s5  }
0x9c: {  	s5 =	sld [smem:$0x3FFD];
	_ =	sdelay $0x3  }
0x9d: {  	_ =	strace s5  }
0x9e: {  	_ =	strace $0x8FFFFFFF  }
0x9f: {  	s18 =	sld [smem:$0x3FDB];
	_ =	sdelay $0x1  }
0xa0: {  	s19 =	simm.s32 $_scs_section_size  }
0xa1: {  	s7 =	simm.s32 $_size__tile_overlayer_lowered;
	s8 =	simm.s32 $_tile_overlayer_lowered  }
0xa2: {  	s22 =	simm.s32 $0x1BFF;
	s21 =	sshll.u32 s8, $0x1;
	s5 =	sadd.s32 s19, s18  }
0xa3: {  	s9 =	simm.s32 $0x0;
	s20 =	sshll.u32 s7, $0x1;
	s7 =	sadd.s32 s21, s5  }
0xa4: {  	[timem:s9], [sflag:s22] =	dma.local [hbm:s7], s20  }
0xa5: {  	_ =	swait.ge [sflag:s22], s20  }
0xa6: {  	s6 =	ssub.s32 $0x0, s20;
	[sflag:s22] =	ssyncset.done $0x0  }
0xa7: {  	[sflag:s22] =	ssyncadd.s32 s6;
	_ =	sdelay $0x1  }
0xa8: {  	s23 =	simm.s32 $0x1B8B  }
0xa9: {  	_ =	swait.ge [sflag:s23], $0x1  }
0xaa: {  	[sflag:s23] =	ssyncset.done $0x0  }
0xab: {  	s25 =	simm.s32 $0x1B8E;
	s24 =	sld [smem:$0x3FFE];
	[sflag:s23] =	ssyncadd.s32 $0xFFFFFFFF  }
0xac: {  	s26 =	simm.s32 $execute0_lowered;
	[smem:$0x3FD2] =	sst s25  }
0xad: {  	s7 =	sshll.u32 s26, $0x1;
	_ =	strace $0x80000046;
	[dreg:$0x1] =	wrdreg $0xFFFFFFFF  }
0xae: {  	s28 =	simm.s32 $_size_execute0_lowered;
	s5 =	sadd.s32 s5, s7;
	[dreg:$0x0] =	wrdreg $0x0  }
0xaf: {  	s7 =	sshll.u32 s28, $0x1;
	[dreg:$0x2] =	wrdreg s5  }
0xb0: {  	[dreg:$0x3] =	wrdreg s7  }
0xb1: {  	[dreg:$0x4] =	wrdreg $0xC0  }
0xb2: {  	_ =	task [dreg:s9], $0x5FFFF  }
0xb3: {  	[dreg:$0x1] =	wrdreg $0xFFFFFFFF  }
0xb4: {  	[dreg:$0x0] =	wrdreg $0x60  }
0xb5: {  	[dreg:$0x2] =	wrdreg s15  }
0xb6: {  	[dreg:$0x3] =	wrdreg s4  }
0xb7: {  	[dreg:$0x4] =	wrdreg s24  }
0xb8: {  	[dreg:$0x5] =	wrdreg s16  }
0xb9: {  	[dreg:$0x6] =	wrdreg $0x9  }
0xba: {  	_ =	task.clear_ibuf [dreg:s9], $0x7FFFF;
	_ =	strace $0x90000046  }
0xbb: {  	s29 =	simm.s32 $0x9;
	_ =	strace $0x80000048  }
0xbc: {  	_ =	swait.ge [sflag:s29], $0x1  }
0xbd: {  	[sflag:s29] =	ssyncadd.s32 $0xFFFFFFFF  }
0xbe: {  	_ =	strace $0x90000048  }
0xbf: {  	_ =	sfence  }
0xc0: {  	s30 =	sld [smem:$0x0];
	_ =	sdelay $0x2  }
0xc1: {  	s31 =	sshll.u32 s1, $0xD;
	s1 =	sshrl.u32 s1, $0x2  }
0xc2: {  	s3 =	sand.u32 $0x4000, s31;
	s1 =	sadd.s32 s1, s30  }
0xc3: {  	s0 =	sor.u32 s3, s0;
	s1 =	sshll.u32 s1, $0x11  }
0xc4: {  	s0 =	sor.u32 s1, s0  }
0xc5: {  	s0 =	sadd.s32 $0x8F2B, s0  }
0xc6: {  	[sflag:s0] =	ssyncadd.remote.s32 $0x1  }
0xc7: {  	_ =	sfence.sel $0xFFFF  }
0xc8: {  	[dreg:$0x0] =	wrdreg $0xFFFFFFFF;
	(pc) =	sbr.abs _section_cstart, $3  }
0xc9: {  	[dreg:$0x1] =	wrdreg $0xFFFFFFFF  }
0xca: {  	_ =	task.clear_ibuf [dreg:s9], $0x2FFFF;
	_ =	strace $0x9FFFFFFF  }
0xcb: {  	(tm) =	ssettm $0x7FFFFFFF  }
tec
execute0_lowered:
.L_overlay_start_1:
0x0: {  	(tag) =	ssettag $0x1  }
0x1: {  	s4 =	rddreg [dreg:$0x0]  }
0x2: {  	s1 =	rddreg [dreg:$0x1]  }
0x3: {  	s5 =	rddreg [dreg:$0x2];
	s2 =	srdreg.scid  }
0x4: {  	s0 =	stileid.u32;
	s6 =	rddreg [dreg:$0x3]  }
0x5: {  	s11 =	simm.s32 $0x0;
	s7 =	sand.u32 $0x1, s2;
	s3 =	sshll.u32 s0, $0x1  }
0x6: {  	s2 =	rddreg [dreg:$0x4];
	s8 =	sor.u32 s7, s3;
	s3 =	simm.s32 $0x0  }
0x7: {  	s7 =	ssub.s32 $0x2, s7;
	s9 =	smul.u32 $0x500, s8;
	[smem:$0x7FF] =	sst s3  }
0x8: {  	s10 =	sshrl.u32 s7, $0x1;
	s8 =	sshll.u32 s8, $0x1;
	_ =	strace $0x80000047  }
0x9: {  	s7 =	ssub.s32 s7, s10;
	s6 =	sadd.s32 s6, s8;
	s8 =	simm.s32 $0x1  }
0xa: {  	s10 =	simm.s32 $0x5000;
	s5 =	sadd.s32 s9, s5;
	s4 =	sadd.s32 s4, s9  }
0xb: {  	v0 =	vimm.s32 $0x0;
	v1 =	vimm.f32 $1.000000000e+00;
	s7 =	smax.u32 s7, $0x1;
	s9 =	simm.s32 $0x2800;
	s5 =	sadd.s32 $0xA00, s5  }
.LBB2_1:
0xc: {  	[tilespmem:s3], [sflag:$0x1] =	stream.linear.gather [hbm4b:s4+s3], $0x2800, $0x38;
	[tilespmem:$0x5010] =	vst v63  }
0xd: {  	_ =	swait.ge [sflag:s8], $0x2800  }
0xe: {  	[sflag:s8] =	ssyncset.done $0x0  }
0xf: {  	[sflag:s8] =	ssyncadd.s32 $0xFFFFD800  }
0x10: {  	[tilespmem:s9], [sflag:$0x1] =	stream.linear.gather [hbm4b:s1+s3], $0x2800, $0x38;
	[tilespmem:$0x5010] =	vst v63  }
0x11: {  	_ =	swait.ge [sflag:s8], $0x2800  }
0x12: {  	[sflag:s8] =	ssyncset.done $0x0  }
0x13: {  	[sflag:s8] =	ssyncadd.s32 $0xFFFFD800  }
0x14: {  	s12 =	simm.s32 $0x0;
	[tilespmem:$0x5000] =	vst v0  }
0x15: {  	v2 =	vld [tilespmem:s12+$0x0];
	_ =	sdelay $0x4  }
0x16: {  	v3 =	vshrl.u32 v2, $0xE;
	_ =	sdelay $0x4  }
0x17: {  	[tilespmem:v3+s9+$0x0] =	vst.idx.add.f32.msk $0xffff, v1  }
0x18: {  	v4 =	vand.u32 $0x3FFF, v2;
	v5 =	vld [tilespmem:$0x5000]  }
0x19: {  	vm0 =	vlt.u32 v4, $0x2710  }
0x1a: {  	v4 =	vnsel vm0, $0x0, v4  }
0x1b: {  	vm15 =	vlt.u32 v2, $0x9C40000;
	v3 =	vmax.u32 v3, v4  }
0x1c: {  	v2 =	vsel vm15, v3, v4  }
0x1d: {  	vm0 =	vgt.s32 v5, v2  }
0x1e: {  	s13 =	simm.s32 $0x80;
	s12 =	simm.s32 $0x40;
	v2 =	vsel vm0, v5, v2  }
.LBB2_2:
0x1f: {  	p0 =	sne.s32 s13, $0x9FC0  }
0x20: {  	s14 =	sshra.s32 s12, $0x2;
	[tilespmem:$0x5000] =	vst v2;
	s12 =	smov.u32 s13;
	s13 =	sadd.s32 $0x40, s13  }
0x21: {  	v2 =	vld [tilespmem:s14+$0x0];
	_ =	sdelay $0x4  }
0x22: {  	v3 =	vshrl.u32 v2, $0xE;
	v4 =	vand.u32 $0x3FFF, v2  }
0x23: {  	vm0 =	vlt.u32 v4, $0x2710  }
0x24: {  	v4 =	vnsel vm0, $0x0, v4  }
0x25: {  	v5 =	vmax.u32 v3, v4;
	_ =	sdelay $0x1  }
0x26: {  	[tilespmem:v3+s9+$0x0] =	vst.idx.add.f32.msk $0xffff, v1  }
0x27: {  	v3 =	vld [tilespmem:$0x5000];
	_ =	sdelay $0x1  }
.Ltmp0:
0x28: {  	(pc) =	sbr.rel @p0 .LBB2_2-.Ltmp0, $4  }
0x29: {  	vm0 =	vlt.u32 v2, $0x9C40000  }
0x2a: {  	v2 =	vsel vm0, v5, v4  }
0x2b: {  	vm0 =	vgt.s32 v3, v2  }
0x2c: {  	v2 =	vsel vm0, v3, v2  }
0x2d: {  	s12 =	sshra.s32 s12, $0x2;
	[tilespmem:$0x5000] =	vst v2  }
0x2e: {  	v2 =	vld [tilespmem:s12+$0x0];
	_ =	sdelay $0x4  }
0x2f: {  	v3 =	vshrl.u32 v2, $0xE;
	_ =	sdelay $0x4  }
0x30: {  	[tilespmem:v3+s9+$0x0] =	vst.idx.add.f32.msk $0xffff, v1  }
0x31: {  	v4 =	vand.u32 $0x3FFF, v2;
	v5 =	vld [tilespmem:$0x5000]  }
0x32: {  	vm0 =	vlt.u32 v4, $0x2710  }
0x33: {  	v4 =	vnsel vm0, $0x0, v4  }
0x34: {  	vm15 =	vlt.u32 v2, $0x9C40000;
	v3 =	vmax.u32 v3, v4  }
0x35: {  	v2 =	vsel vm15, v3, v4  }
0x36: {  	vm0 =	vgt.s32 v5, v2  }
0x37: {  	v2 =	vsel vm0, v5, v2  }
0x38: {  	[tilespmem:$0x5000] =	vst v2  }
0x39: {  	[hbm4b:s5+s3] =	stream.linear.scatter [tilespmem:s9], [sflag:$0x1], $0x2800, $0x38;
	[tilespmem:$0x5010] =	vst v63  }
0x3a: {  	s11 =	sadd.s32 $0x1, s11;
	_ =	swait.ge [sflag:s8], $0x2800  }
0x3b: {  	p0 =	sne.s32 s11, s7;
	[sflag:s8] =	ssyncset.done $0x0  }
.Ltmp1:
0x3c: {  	[sflag:s8] =	ssyncadd.s32 $0xFFFFD800;
	(pc) =	sbr.rel @p0 .LBB2_1-.Ltmp1, $4  }
0x3d: {  	[hbm4b:s6+s3] =	stream.linear.scatter [tilespmem:s10], [sflag:$0x1], $0x10, $0x38;
	[tilespmem:$0x5010] =	vst v63  }
0x3e: {  	_ =	swait.ge [sflag:s8], $0x10  }
0x3f: {  	[sflag:s8] =	ssyncset.done $0x0  }
0x40: {  	[sflag:s8] =	ssyncadd.s32 $0xFFFFFFF0  }
0x41: {  	_ =	sfence.sel $0x180000  }
0x42: {  	[bflag:$0x0] =	sbarrier.arrive $0xFFFF  }
0x43: {  	p0 =	sne.s32 s0, $0x0;
	_ =	strace $0x90000047  }
0x44: {  	s0 =	sadd.s32 @!p0 $0x100000, s2;
	[bflag:$0x2] =	sbarrier.arrive $0xFFFF  }
0x45: {  	[sflag:s0] =	ssyncadd.tile.s32 @!p0 $0x1;
	_ =	shalt  }
.Lfunc_end2:
_tile_overlayer_lowered:
.L_overlay_start_2:
0x46: {  	(tag) =	ssettag $0x2  }
0x47: {  	s0 =	rddreg [dreg:$0x0];
	s2 =	stileid.u32  }
0x48: {  	s1 =	rddreg [dreg:$0x1];
	p0 =	sne.s32 s2, $0x0  }
0x49: {  	s3 =	rddreg [dreg:$0x2];
	[bflag:$0x3] =	sbarrier.arrive $0xFFFF;
	s2 =	simm.s32 @!p0 $0x1C01  }
0x4a: {  	[timem:s3], [sflag:s2] =	dma.local @!p0 [hbm:s0], s1  }
0x4b: {  	s0 =	simm.s32 @!p0 $0x1  }
0x4c: {  	_ =	swait.ge @!p0 [sflag:s0], s1  }
0x4d: {  	s1 =	ssub.s32 @!p0 $0x0, s1;
	[sflag:s0] =	ssyncset.done @!p0 $0x0  }
0x4e: {  	[sflag:s0] =	ssyncadd.s32 @!p0 s1  }
0x4f: {  	[bflag:$0x3] =	sbarrier.arrive $0xFFFF  }
0x50: {  	_ =	shalt  }

</sc_bundles>
